<compile_context>
chip_gen: v7x
topology: tpu7x:2x2x1
jax: 0.10.2.dev20260603
libtpu: 0.0.44.dev20260713+nightly
codegen_flags: <defaults>
</compile_context>

<pallas_src>
import functools

import jax
import jax.numpy as jnp
from jax import lax
from jax.experimental import pallas as pl
from jax.experimental.pallas import tpu as pltpu
from jax.experimental.pallas import tpu_sc as plsc

NUM_SPECIAL = 1000
PAD_IDX = NUM_SPECIAL
VOCAB = NUM_SPECIAL + 1
DIM = 64
BATCH, SEQ = 4096, 200

B = BATCH * SEQ
CHUNK = 128
N_CHUNKS = B // CHUNK
NC, NS = 2, 16
NW = NC * NS
CHUNKS_PER_W = N_CHUNKS // NW
NBUF = 4
PREF = 2


def _emb_body(idx_hbm, tbl_hbm, out_hbm, tbl_v, idx_v, rows_v, gsem, ssem):
    wid = lax.axis_index("s") * NC + lax.axis_index("c")
    c0 = wid * CHUNKS_PER_W

    @pl.when(lax.axis_index("s") == 0)
    def _():
        pltpu.sync_copy(tbl_hbm, tbl_v)

    pltpu.sync_copy(idx_hbm.at[pl.ds(c0, CHUNKS_PER_W)], idx_v)
    plsc.subcore_barrier()

    def gather(g):
        slot = lax.rem(g, NBUF)
        pltpu.async_copy(tbl_v.at[idx_v.at[g]], rows_v.at[slot],
                         gsem.at[slot])

    for b in range(PREF):
        gather(b)

    def step(g, _):
        slot = lax.rem(g, NBUF)
        chunk = c0 + g

        pg = g + PREF

        @pl.when(pg < CHUNKS_PER_W)
        def _():
            pslot = lax.rem(pg, NBUF)

            @pl.when(pg >= NBUF)
            def _():
                pltpu.make_async_copy(
                    rows_v.at[pslot],
                    out_hbm.at[pl.ds((c0 + pg - NBUF) * CHUNK, CHUNK)],
                    ssem.at[pslot]).wait()

            gather(pg)

        pltpu.make_async_copy(tbl_v.at[idx_v.at[g]], rows_v.at[slot],
                              gsem.at[slot]).wait()
        pltpu.async_copy(rows_v.at[slot], out_hbm.at[pl.ds(chunk * CHUNK, CHUNK)],
                         ssem.at[slot])
        return 0

    lax.fori_loop(0, CHUNKS_PER_W, step, 0)

    def drain(g, _):
        slot = lax.rem(g, NBUF)
        chunk = c0 + g
        pltpu.make_async_copy(
            rows_v.at[slot], out_hbm.at[pl.ds(chunk * CHUNK, CHUNK)],
            ssem.at[slot]).wait()
        return 0

    lax.fori_loop(CHUNKS_PER_W - NBUF, CHUNKS_PER_W, drain, 0)


@jax.jit
def _emb_lookup(idx2d, embs):
    mesh = plsc.VectorSubcoreMesh(core_axis_name="c", subcore_axis_name="s")
    f = pl.kernel(
        _emb_body,
        out_type=jax.ShapeDtypeStruct((B, DIM), jnp.float32),
        mesh=mesh,
        scratch_types=[
            pltpu.VMEM_SHARED((VOCAB, DIM), jnp.float32),
            pltpu.VMEM((CHUNKS_PER_W, CHUNK), jnp.int32),
            pltpu.VMEM((NBUF, CHUNK, DIM), jnp.float32),
            pltpu.SemaphoreType.DMA((NBUF,)),
            pltpu.SemaphoreType.DMA((NBUF,)),
        ],
        compiler_params=pltpu.CompilerParams(use_tc_tiling_on_sc=False),
    )
    return f(idx2d, embs)


def kernel(inputs, embs):
    idx2d = inputs.reshape(N_CHUNKS, CHUNK)
    out = _emb_lookup(idx2d, embs)
    return out.reshape(BATCH, SEQ, DIM)

# --- scband reference (transcript-rebuilt; emitter-appended) ---
"""Pipeline reference for scband-special-embeddings-network-38027640438892 (READ-ONLY COPY).

The authoritative reference and input builder live on the scoring server;
editing this copy changes nothing except your own understanding.
"""

import jax, jax.numpy as jnp
import numpy as np

NUM_SPECIAL = 1000          # assumed len(network.special_tokens.Dict())
PAD_IDX = NUM_SPECIAL       # padding_idx = len(dict)
VOCAB = NUM_SPECIAL + 1     # len(dict) + 1 rows in the table
DIM = 64                    # init kwarg `size`
BATCH, SEQ = 4096, 200


def setup_inputs(seed: int = 0) -> dict:
    key = jax.random.key(seed)
    k_idx, k_tbl = jax.random.split(key)
    inputs = jax.random.randint(k_idx, (BATCH, SEQ), 0, NUM_SPECIAL, dtype=jnp.int32)
    # Embedding table; emulate nn.Embedding default init N(0,1), padding row zeroed
    embs = jax.random.normal(k_tbl, (VOCAB, DIM), dtype=jnp.float32)
    embs = embs.at[PAD_IDX].set(0.0)
    return {"inputs": inputs, "embs": embs}


def reference(inputs, embs):
    # values = self.embs(inputs)  ->  row gather from the embedding table
    values = jnp.take(embs, inputs, axis=0)
    return values

if __name__ == "__main__":
    import jax
    _d = setup_inputs()
    print(jax.jit(kernel)(*tuple(_d.values())))

</pallas_src>

<mosaic_0001>
#map = affine_map<(d0, d1) -> (0, 0)>
module attributes {stable_mosaic.version = 14 : i64} {
  func.func @_emb_body(%arg0: i32, %arg1: i32, %arg2: memref<6400x128xi32, #tpu.memory_space<hbm>>, %arg3: memref<1001x64xf32, #tpu.memory_space<hbm>>, %arg4: memref<819200x64xf32, #tpu.memory_space<hbm>>, %arg5: memref<1001x64xf32, #tpu.memory_space<vmem_shared>>, %arg6: memref<200x128xi32, #tpu.memory_space<vmem>>, %arg7: memref<4x128x64xf32, #tpu.memory_space<vmem>>, %arg8: memref<4x!tpu.dma_semaphore, #tpu.memory_space<semaphore_mem>>, %arg9: memref<4x!tpu.dma_semaphore, #tpu.memory_space<semaphore_mem>>) attributes {dimension_semantics = [#tpu.dimension_semantics<core_parallel>, #tpu.dimension_semantics<subcore_parallel>], iteration_bounds = array<i64: 2, 16>, scalar_prefetch = 0 : i64, scratch_operands = 5 : i64, tpu.core_type = #tpu.core_type<sc_vector_subcore>, window_params = [{transform_indices = #map}, {transform_indices = #map}, {transform_indices = #map}]} {
    %mul3A = arith.constant 2 : i32
    %mul3A_0 = arith.muli %arg1, %mul3A : i32
    %add3A = arith.addi %mul3A_0, %arg0 : i32
    %mul3A_1 = arith.constant 200 : i32
    %mul3A_2 = arith.muli %add3A, %mul3A_1 : i32
    %eq3A = arith.constant 0 : i32
    %eq3A_3 = arith.cmpi eq, %arg1, %eq3A : i32
    %convert_element_type3A = arith.extui %eq3A_3 : i1 to i32
    %cond3A = arith.constant 0 : i32
    %cond3A_4 = arith.cmpi ne, %convert_element_type3A, %cond3A : i32
    scf.if %cond3A_4 {
      "tpu.region"() ({
        %run_scoped3A = tpu.sem_alloc : memref<!tpu.dma_semaphore, #tpu.memory_space<semaphore_mem>>
        tpu.enqueue_dma source(%arg3 : memref<1001x64xf32, #tpu.memory_space<hbm>>) target(%arg5 : memref<1001x64xf32, #tpu.memory_space<vmem_shared>>) target_semaphore(%run_scoped3A : memref<!tpu.dma_semaphore, #tpu.memory_space<semaphore_mem>>)
        tpu.wait_dma2 semaphore(%run_scoped3A : memref<!tpu.dma_semaphore, #tpu.memory_space<semaphore_mem>>) src(%arg3 : memref<1001x64xf32, #tpu.memory_space<hbm>>) dst(%arg5 : memref<1001x64xf32, #tpu.memory_space<vmem_shared>>)
        tpu.yield
      }) : () -> ()
    } else {
    }
    "tpu.region"() ({
      %run_scoped3A = tpu.sem_alloc : memref<!tpu.dma_semaphore, #tpu.memory_space<semaphore_mem>>
      %dma_start3A_48 = arith.constant 0 : i32
      %dma_start3A_49 = tpu.memref_slice %arg2[%mul3A_2, %dma_start3A_48] : memref<6400x128xi32, #tpu.memory_space<hbm>> -> memref<200x128xi32, #tpu.memory_space<hbm>>
      %dma_start3A_50 = arith.constant 0 : i32
      %dma_start3A_51 = tpu.memref_slice %arg2[%mul3A_2, %dma_start3A_50] : memref<6400x128xi32, #tpu.memory_space<hbm>> -> memref<200x128xi32, #tpu.memory_space<hbm>>
      tpu.enqueue_dma source(%dma_start3A_51 : memref<200x128xi32, #tpu.memory_space<hbm>>) target(%arg6 : memref<200x128xi32, #tpu.memory_space<vmem>>) target_semaphore(%run_scoped3A : memref<!tpu.dma_semaphore, #tpu.memory_space<semaphore_mem>>)
      %dma_wait3A = arith.constant 0 : i32
      %dma_wait3A_52 = tpu.memref_slice %arg2[%mul3A_2, %dma_wait3A] : memref<6400x128xi32, #tpu.memory_space<hbm>> -> memref<200x128xi32, #tpu.memory_space<hbm>>
      %dma_wait3A_53 = arith.constant 0 : i32
      %dma_wait3A_54 = tpu.memref_slice %arg2[%mul3A_2, %dma_wait3A_53] : memref<6400x128xi32, #tpu.memory_space<hbm>> -> memref<200x128xi32, #tpu.memory_space<hbm>>
      tpu.wait_dma2 semaphore(%run_scoped3A : memref<!tpu.dma_semaphore, #tpu.memory_space<semaphore_mem>>) src(%dma_wait3A_54 : memref<200x128xi32, #tpu.memory_space<hbm>>) dst(%arg6 : memref<200x128xi32, #tpu.memory_space<vmem>>)
      tpu.yield
    }) : () -> ()
    %barrier3A = arith.constant 0 : index
    tpu.barrier barrier_id(%barrier3A)
    %rem3A = arith.constant 0 : i32
    %rem3A_5 = arith.constant 4 : i32
    %rem3A_6 = arith.remsi %rem3A, %rem3A_5 : i32
    %dma_start3A = arith.constant 0 : i32
    %dma_start3A_7 = arith.constant 0 : i32
    %dma_start3A_8 = arith.constant 0 : i32
    %dma_start3A_9 = tpu.memref_slice %arg7[%rem3A_6, %dma_start3A_7, %dma_start3A_8] : memref<4x128x64xf32, #tpu.memory_space<vmem>> -> memref<1x128x64xf32, #tpu.memory_space<vmem>>
    %dma_start3A_10 = tpu.memref_squeeze %dma_start3A_9 : memref<1x128x64xf32, #tpu.memory_space<vmem>> -> memref<128x64xf32, #tpu.memory_space<vmem>>
    %dma_start3A_11 = arith.constant 0 : i32
    %dma_start3A_12 = tpu.memref_slice %arg6[%dma_start3A, %dma_start3A_11] : memref<200x128xi32, #tpu.memory_space<vmem>> -> memref<1x128xi32, #tpu.memory_space<vmem>>
    %dma_start3A_13 = tpu.memref_squeeze %dma_start3A_12 : memref<1x128xi32, #tpu.memory_space<vmem>> -> memref<128xi32, #tpu.memory_space<vmem>>
    %dma_start3A_14 = arith.constant 0 : i32
    %dma_start3A_15 = arith.constant 0 : i32
    %dma_start3A_16 = tpu.memref_slice %arg5[%dma_start3A_14, %dma_start3A_15] : memref<1001x64xf32, #tpu.memory_space<vmem_shared>> -> memref<1001x64xf32, #tpu.memory_space<vmem_shared>>
    %dma_start3A_17 = tpu.memref_slice %arg8[%rem3A_6] : memref<4x!tpu.dma_semaphore, #tpu.memory_space<semaphore_mem>> -> memref<1x!tpu.dma_semaphore, #tpu.memory_space<semaphore_mem>>
    %dma_start3A_18 = tpu.memref_squeeze %dma_start3A_17 : memref<1x!tpu.dma_semaphore, #tpu.memory_space<semaphore_mem>> -> memref<!tpu.dma_semaphore, #tpu.memory_space<semaphore_mem>>
    tpu.enqueue_indirect_dma source(%dma_start3A_16 : memref<1001x64xf32, #tpu.memory_space<vmem_shared>>) target(%dma_start3A_10 : memref<128x64xf32, #tpu.memory_space<vmem>>) offsets(%dma_start3A_13 : memref<128xi32, #tpu.memory_space<vmem>>) semaphore(%dma_start3A_18 : memref<!tpu.dma_semaphore, #tpu.memory_space<semaphore_mem>>)
    %rem3A_19 = arith.constant 1 : i32
    %rem3A_20 = arith.constant 4 : i32
    %rem3A_21 = arith.remsi %rem3A_19, %rem3A_20 : i32
    %dma_start3A_22 = arith.constant 1 : i32
    %dma_start3A_23 = arith.constant 0 : i32
    %dma_start3A_24 = arith.constant 0 : i32
    %dma_start3A_25 = tpu.memref_slice %arg7[%rem3A_21, %dma_start3A_23, %dma_start3A_24] : memref<4x128x64xf32, #tpu.memory_space<vmem>> -> memref<1x128x64xf32, #tpu.memory_space<vmem>>
    %dma_start3A_26 = tpu.memref_squeeze %dma_start3A_25 : memref<1x128x64xf32, #tpu.memory_space<vmem>> -> memref<128x64xf32, #tpu.memory_space<vmem>>
    %dma_start3A_27 = arith.constant 0 : i32
    %dma_start3A_28 = tpu.memref_slice %arg6[%dma_start3A_22, %dma_start3A_27] : memref<200x128xi32, #tpu.memory_space<vmem>> -> memref<1x128xi32, #tpu.memory_space<vmem>>
    %dma_start3A_29 = tpu.memref_squeeze %dma_start3A_28 : memref<1x128xi32, #tpu.memory_space<vmem>> -> memref<128xi32, #tpu.memory_space<vmem>>
    %dma_start3A_30 = arith.constant 0 : i32
    %dma_start3A_31 = arith.constant 0 : i32
    %dma_start3A_32 = tpu.memref_slice %arg5[%dma_start3A_30, %dma_start3A_31] : memref<1001x64xf32, #tpu.memory_space<vmem_shared>> -> memref<1001x64xf32, #tpu.memory_space<vmem_shared>>
    %dma_start3A_33 = tpu.memref_slice %arg8[%rem3A_21] : memref<4x!tpu.dma_semaphore, #tpu.memory_space<semaphore_mem>> -> memref<1x!tpu.dma_semaphore, #tpu.memory_space<semaphore_mem>>
    %dma_start3A_34 = tpu.memref_squeeze %dma_start3A_33 : memref<1x!tpu.dma_semaphore, #tpu.memory_space<semaphore_mem>> -> memref<!tpu.dma_semaphore, #tpu.memory_space<semaphore_mem>>
    tpu.enqueue_indirect_dma source(%dma_start3A_32 : memref<1001x64xf32, #tpu.memory_space<vmem_shared>>) target(%dma_start3A_26 : memref<128x64xf32, #tpu.memory_space<vmem>>) offsets(%dma_start3A_29 : memref<128xi32, #tpu.memory_space<vmem>>) semaphore(%dma_start3A_34 : memref<!tpu.dma_semaphore, #tpu.memory_space<semaphore_mem>>)
    %scan3A = arith.constant 0 : i32
    %scan3A_35 = arith.constant 0 : i32
    %scan3A_36 = arith.constant 200 : i32
    %scan3A_37 = arith.addi %scan3A_35, %scan3A_36 : i32
    %scan3A_38 = arith.constant 1 : i32
    %scan3A_39 = scf.for %scan3A_48 = %scan3A_35 to %scan3A_37 step %scan3A_38 iter_args(%scan3A_49 = %scan3A) -> (i32)  : i32 {
      %rem3A_50 = arith.constant 4 : i32
      %rem3A_51 = arith.remsi %scan3A_48, %rem3A_50 : i32
      %add3A_52 = arith.addi %mul3A_2, %scan3A_48 : i32
      %add3A_53 = arith.constant 2 : i32
      %add3A_54 = arith.addi %scan3A_48, %add3A_53 : i32
      %lt3A = arith.constant 200 : i32
      %lt3A_55 = arith.cmpi slt, %add3A_54, %lt3A : i32
      %convert_element_type3A_56 = arith.extui %lt3A_55 : i1 to i32
      %cond3A_57 = arith.constant 0 : i32
      %cond3A_58 = arith.cmpi ne, %convert_element_type3A_56, %cond3A_57 : i32
      scf.if %cond3A_58 {
        %rem3A_87 = arith.constant 4 : i32
        %rem3A_88 = arith.remsi %add3A_54, %rem3A_87 : i32
        %ge3A = arith.constant 4 : i32
        %ge3A_89 = arith.cmpi sge, %add3A_54, %ge3A : i32
        %convert_element_type3A_90 = arith.extui %ge3A_89 : i1 to i32
        %cond3A_91 = arith.constant 0 : i32
        %cond3A_92 = arith.cmpi ne, %convert_element_type3A_90, %cond3A_91 : i32
        scf.if %cond3A_92 {
          %add3A_107 = arith.addi %mul3A_2, %add3A_54 : i32
          %sub3A = arith.constant 4 : i32
          %sub3A_108 = arith.subi %add3A_107, %sub3A : i32
          %mul3A_109 = arith.constant 128 : i32
          %mul3A_110 = arith.muli %sub3A_108, %mul3A_109 : i32
          %dma_wait3A_111 = arith.constant 0 : i32
          %dma_wait3A_112 = arith.constant 0 : i32
          %dma_wait3A_113 = tpu.memref_slice %arg7[%rem3A_88, %dma_wait3A_111, %dma_wait3A_112] : memref<4x128x64xf32, #tpu.memory_space<vmem>> -> memref<1x128x64xf32, #tpu.memory_space<vmem>>
          %dma_wait3A_114 = tpu.memref_squeeze %dma_wait3A_113 : memref<1x128x64xf32, #tpu.memory_space<vmem>> -> memref<128x64xf32, #tpu.memory_space<vmem>>
          %dma_wait3A_115 = arith.constant 0 : i32
          %dma_wait3A_116 = tpu.memref_slice %arg4[%mul3A_110, %dma_wait3A_115] : memref<819200x64xf32, #tpu.memory_space<hbm>> -> memref<128x64xf32, #tpu.memory_space<hbm>>
          %dma_wait3A_117 = tpu.memref_slice %arg9[%rem3A_88] : memref<4x!tpu.dma_semaphore, #tpu.memory_space<semaphore_mem>> -> memref<1x!tpu.dma_semaphore, #tpu.memory_space<semaphore_mem>>
          %dma_wait3A_118 = tpu.memref_squeeze %dma_wait3A_117 : memref<1x!tpu.dma_semaphore, #tpu.memory_space<semaphore_mem>> -> memref<!tpu.dma_semaphore, #tpu.memory_space<semaphore_mem>>
          %dma_wait3A_119 = arith.constant 0 : i32
          %dma_wait3A_120 = tpu.memref_slice %arg4[%mul3A_110, %dma_wait3A_119] : memref<819200x64xf32, #tpu.memory_space<hbm>> -> memref<128x64xf32, #tpu.memory_space<hbm>>
          %dma_wait3A_121 = arith.constant 0 : i32
          %dma_wait3A_122 = arith.constant 0 : i32
          %dma_wait3A_123 = tpu.memref_slice %arg7[%rem3A_88, %dma_wait3A_121, %dma_wait3A_122] : memref<4x128x64xf32, #tpu.memory_space<vmem>> -> memref<1x128x64xf32, #tpu.memory_space<vmem>>
          %dma_wait3A_124 = tpu.memref_squeeze %dma_wait3A_123 : memref<1x128x64xf32, #tpu.memory_space<vmem>> -> memref<128x64xf32, #tpu.memory_space<vmem>>
          tpu.wait_dma2 semaphore(%dma_wait3A_118 : memref<!tpu.dma_semaphore, #tpu.memory_space<semaphore_mem>>) src(%dma_wait3A_124 : memref<128x64xf32, #tpu.memory_space<vmem>>) dst(%dma_wait3A_120 : memref<128x64xf32, #tpu.memory_space<hbm>>)
        } else {
        }
        %rem3A_93 = arith.constant 4 : i32
        %rem3A_94 = arith.remsi %add3A_54, %rem3A_93 : i32
        %dma_start3A_95 = arith.constant 0 : i32
        %dma_start3A_96 = arith.constant 0 : i32
        %dma_start3A_97 = tpu.memref_slice %arg7[%rem3A_94, %dma_start3A_95, %dma_start3A_96] : memref<4x128x64xf32, #tpu.memory_space<vmem>> -> memref<1x128x64xf32, #tpu.memory_space<vmem>>
        %dma_start3A_98 = tpu.memref_squeeze %dma_start3A_97 : memref<1x128x64xf32, #tpu.memory_space<vmem>> -> memref<128x64xf32, #tpu.memory_space<vmem>>
        %dma_start3A_99 = arith.constant 0 : i32
        %dma_start3A_100 = tpu.memref_slice %arg6[%add3A_54, %dma_start3A_99] : memref<200x128xi32, #tpu.memory_space<vmem>> -> memref<1x128xi32, #tpu.memory_space<vmem>>
        %dma_start3A_101 = tpu.memref_squeeze %dma_start3A_100 : memref<1x128xi32, #tpu.memory_space<vmem>> -> memref<128xi32, #tpu.memory_space<vmem>>
        %dma_start3A_102 = arith.constant 0 : i32
        %dma_start3A_103 = arith.constant 0 : i32
        %dma_start3A_104 = tpu.memref_slice %arg5[%dma_start3A_102, %dma_start3A_103] : memref<1001x64xf32, #tpu.memory_space<vmem_shared>> -> memref<1001x64xf32, #tpu.memory_space<vmem_shared>>
        %dma_start3A_105 = tpu.memref_slice %arg8[%rem3A_94] : memref<4x!tpu.dma_semaphore, #tpu.memory_space<semaphore_mem>> -> memref<1x!tpu.dma_semaphore, #tpu.memory_space<semaphore_mem>>
        %dma_start3A_106 = tpu.memref_squeeze %dma_start3A_105 : memref<1x!tpu.dma_semaphore, #tpu.memory_space<semaphore_mem>> -> memref<!tpu.dma_semaphore, #tpu.memory_space<semaphore_mem>>
        tpu.enqueue_indirect_dma source(%dma_start3A_104 : memref<1001x64xf32, #tpu.memory_space<vmem_shared>>) target(%dma_start3A_98 : memref<128x64xf32, #tpu.memory_space<vmem>>) offsets(%dma_start3A_101 : memref<128xi32, #tpu.memory_space<vmem>>) semaphore(%dma_start3A_106 : memref<!tpu.dma_semaphore, #tpu.memory_space<semaphore_mem>>)
      } else {
      }
      %dma_wait3A = arith.constant 0 : i32
      %dma_wait3A_59 = arith.constant 0 : i32
      %dma_wait3A_60 = tpu.memref_slice %arg7[%rem3A_51, %dma_wait3A, %dma_wait3A_59] : memref<4x128x64xf32, #tpu.memory_space<vmem>> -> memref<1x128x64xf32, #tpu.memory_space<vmem>>
      %dma_wait3A_61 = tpu.memref_squeeze %dma_wait3A_60 : memref<1x128x64xf32, #tpu.memory_space<vmem>> -> memref<128x64xf32, #tpu.memory_space<vmem>>
      %dma_wait3A_62 = arith.constant 0 : i32
      %dma_wait3A_63 = tpu.memref_slice %arg6[%scan3A_48, %dma_wait3A_62] : memref<200x128xi32, #tpu.memory_space<vmem>> -> memref<1x128xi32, #tpu.memory_space<vmem>>
      %dma_wait3A_64 = tpu.memref_squeeze %dma_wait3A_63 : memref<1x128xi32, #tpu.memory_space<vmem>> -> memref<128xi32, #tpu.memory_space<vmem>>
      %dma_wait3A_65 = arith.constant 0 : i32
      %dma_wait3A_66 = arith.constant 0 : i32
      %dma_wait3A_67 = tpu.memref_slice %arg5[%dma_wait3A_65, %dma_wait3A_66] : memref<1001x64xf32, #tpu.memory_space<vmem_shared>> -> memref<1001x64xf32, #tpu.memory_space<vmem_shared>>
      %dma_wait3A_68 = tpu.memref_slice %arg8[%rem3A_51] : memref<4x!tpu.dma_semaphore, #tpu.memory_space<semaphore_mem>> -> memref<1x!tpu.dma_semaphore, #tpu.memory_space<semaphore_mem>>
      %dma_wait3A_69 = tpu.memref_squeeze %dma_wait3A_68 : memref<1x!tpu.dma_semaphore, #tpu.memory_space<semaphore_mem>> -> memref<!tpu.dma_semaphore, #tpu.memory_space<semaphore_mem>>
      tpu.wait_indirect_dma semaphore(%dma_wait3A_69 : memref<!tpu.dma_semaphore, #tpu.memory_space<semaphore_mem>>) src(%dma_wait3A_67 : memref<1001x64xf32, #tpu.memory_space<vmem_shared>>) dst(%dma_wait3A_61 : memref<128x64xf32, #tpu.memory_space<vmem>>)
      %mul3A_70 = arith.constant 128 : i32
      %mul3A_71 = arith.muli %add3A_52, %mul3A_70 : i32
      %dma_start3A_72 = arith.constant 0 : i32
      %dma_start3A_73 = arith.constant 0 : i32
      %dma_start3A_74 = tpu.memref_slice %arg7[%rem3A_51, %dma_start3A_72, %dma_start3A_73] : memref<4x128x64xf32, #tpu.memory_space<vmem>> -> memref<1x128x64xf32, #tpu.memory_space<vmem>>
      %dma_start3A_75 = tpu.memref_squeeze %dma_start3A_74 : memref<1x128x64xf32, #tpu.memory_space<vmem>> -> memref<128x64xf32, #tpu.memory_space<vmem>>
      %dma_start3A_76 = arith.constant 0 : i32
      %dma_start3A_77 = tpu.memref_slice %arg4[%mul3A_71, %dma_start3A_76] : memref<819200x64xf32, #tpu.memory_space<hbm>> -> memref<128x64xf32, #tpu.memory_space<hbm>>
      %dma_start3A_78 = tpu.memref_slice %arg9[%rem3A_51] : memref<4x!tpu.dma_semaphore, #tpu.memory_space<semaphore_mem>> -> memref<1x!tpu.dma_semaphore, #tpu.memory_space<semaphore_mem>>
      %dma_start3A_79 = tpu.memref_squeeze %dma_start3A_78 : memref<1x!tpu.dma_semaphore, #tpu.memory_space<semaphore_mem>> -> memref<!tpu.dma_semaphore, #tpu.memory_space<semaphore_mem>>
      %dma_start3A_80 = arith.constant 0 : i32
      %dma_start3A_81 = tpu.memref_slice %arg4[%mul3A_71, %dma_start3A_80] : memref<819200x64xf32, #tpu.memory_space<hbm>> -> memref<128x64xf32, #tpu.memory_space<hbm>>
      %dma_start3A_82 = arith.constant 0 : i32
      %dma_start3A_83 = arith.constant 0 : i32
      %dma_start3A_84 = tpu.memref_slice %arg7[%rem3A_51, %dma_start3A_82, %dma_start3A_83] : memref<4x128x64xf32, #tpu.memory_space<vmem>> -> memref<1x128x64xf32, #tpu.memory_space<vmem>>
      %dma_start3A_85 = tpu.memref_squeeze %dma_start3A_84 : memref<1x128x64xf32, #tpu.memory_space<vmem>> -> memref<128x64xf32, #tpu.memory_space<vmem>>
      tpu.enqueue_dma source(%dma_start3A_85 : memref<128x64xf32, #tpu.memory_space<vmem>>) target(%dma_start3A_81 : memref<128x64xf32, #tpu.memory_space<hbm>>) target_semaphore(%dma_start3A_79 : memref<!tpu.dma_semaphore, #tpu.memory_space<semaphore_mem>>)
      %scan3A_86 = arith.constant 0 : i32
      scf.yield %scan3A_86 : i32
    }
    %scan3A_40 = arith.constant 200 : i32
    %scan3A_41 = arith.constant 0 : i32
    %scan3A_42 = arith.constant 196 : i32
    %scan3A_43 = arith.constant 4 : i32
    %scan3A_44 = arith.addi %scan3A_42, %scan3A_43 : i32
    %scan3A_45 = arith.constant 1 : i32
    %scan3A_46 = scf.for %scan3A_48 = %scan3A_42 to %scan3A_44 step %scan3A_45 iter_args(%scan3A_49 = %scan3A_41) -> (i32)  : i32 {
      %rem3A_50 = arith.constant 4 : i32
      %rem3A_51 = arith.remsi %scan3A_48, %rem3A_50 : i32
      %add3A_52 = arith.addi %mul3A_2, %scan3A_48 : i32
      %mul3A_53 = arith.constant 128 : i32
      %mul3A_54 = arith.muli %add3A_52, %mul3A_53 : i32
      %dma_wait3A = arith.constant 0 : i32
      %dma_wait3A_55 = arith.constant 0 : i32
      %dma_wait3A_56 = tpu.memref_slice %arg7[%rem3A_51, %dma_wait3A, %dma_wait3A_55] : memref<4x128x64xf32, #tpu.memory_space<vmem>> -> memref<1x128x64xf32, #tpu.memory_space<vmem>>
      %dma_wait3A_57 = tpu.memref_squeeze %dma_wait3A_56 : memref<1x128x64xf32, #tpu.memory_space<vmem>> -> memref<128x64xf32, #tpu.memory_space<vmem>>
      %dma_wait3A_58 = arith.constant 0 : i32
      %dma_wait3A_59 = tpu.memref_slice %arg4[%mul3A_54, %dma_wait3A_58] : memref<819200x64xf32, #tpu.memory_space<hbm>> -> memref<128x64xf32, #tpu.memory_space<hbm>>
      %dma_wait3A_60 = tpu.memref_slice %arg9[%rem3A_51] : memref<4x!tpu.dma_semaphore, #tpu.memory_space<semaphore_mem>> -> memref<1x!tpu.dma_semaphore, #tpu.memory_space<semaphore_mem>>
      %dma_wait3A_61 = tpu.memref_squeeze %dma_wait3A_60 : memref<1x!tpu.dma_semaphore, #tpu.memory_space<semaphore_mem>> -> memref<!tpu.dma_semaphore, #tpu.memory_space<semaphore_mem>>
      %dma_wait3A_62 = arith.constant 0 : i32
      %dma_wait3A_63 = tpu.memref_slice %arg4[%mul3A_54, %dma_wait3A_62] : memref<819200x64xf32, #tpu.memory_space<hbm>> -> memref<128x64xf32, #tpu.memory_space<hbm>>
      %dma_wait3A_64 = arith.constant 0 : i32
      %dma_wait3A_65 = arith.constant 0 : i32
      %dma_wait3A_66 = tpu.memref_slice %arg7[%rem3A_51, %dma_wait3A_64, %dma_wait3A_65] : memref<4x128x64xf32, #tpu.memory_space<vmem>> -> memref<1x128x64xf32, #tpu.memory_space<vmem>>
      %dma_wait3A_67 = tpu.memref_squeeze %dma_wait3A_66 : memref<1x128x64xf32, #tpu.memory_space<vmem>> -> memref<128x64xf32, #tpu.memory_space<vmem>>
      tpu.wait_dma2 semaphore(%dma_wait3A_61 : memref<!tpu.dma_semaphore, #tpu.memory_space<semaphore_mem>>) src(%dma_wait3A_67 : memref<128x64xf32, #tpu.memory_space<vmem>>) dst(%dma_wait3A_63 : memref<128x64xf32, #tpu.memory_space<hbm>>)
      %scan3A_68 = arith.constant 0 : i32
      scf.yield %scan3A_68 : i32
    }
    %scan3A_47 = arith.constant 4 : i32
    return
  }
}

</mosaic_0001>

<sc_bundles>
// kernel: _emb_lookup.3.cloned.1.call-start
scs
__scs_entry_jumppad:
0x0: {  	(pc) =	sbr.rel $0x88, $3  }
0x1: {  	(tag) =	ssettag $0x0;
	lr =	simm.s32 $0x1  }
0x2: {  	[smem:$0x3F9F] =	sst lr;
	_ =	strace $0xD0000000  }
0x3: {  	_ = 	snop  }
0x4: {  	_ = 	snop  }
0x5: {  	_ = 	snop  }
0x6: {  	_ = 	snop  }
0x7: {  	_ = 	snop  }
__scs_overlays_trampoline_lowered:
0x8: {  	[smem:$0x3FAE] =	sst s0  }
0x9: {  	[smem:$0x3FAF] =	sst s1  }
0xa: {  	[smem:$0x3FB0] =	sst s2  }
0xb: {  	[smem:$0x3FB1] =	sst s3  }
0xc: {  	[smem:$0x3FB2] =	sst s4  }
0xd: {  	[smem:$0x3FB3] =	sst s5  }
0xe: {  	[smem:$0x3FB4] =	sst s6  }
0xf: {  	[smem:$0x3FB5] =	sst s7  }
0x10: {  	[smem:$0x3FB6] =	sst s8  }
0x11: {  	[smem:$0x3FB7] =	sst s9;
	s0 =	simm.s32 @!p0 $0x0  }
0x12: {  	s1 =	sld [smem:$0x3F9D];
	s0 =	simm.s32 @p0 $0x1  }
0x13: {  	[smem:$0x3FB8] =	sst s0;
	s0 =	simm.s32 @!p1 $0x0  }
0x14: {  	s2 =	sld [smem:$0x3F9C];
	s0 =	simm.s32 @p1 $0x1  }
0x15: {  	[smem:$0x3FB9] =	sst s0;
	s0 =	simm.s32 @!p2 $0x0  }
0x16: {  	s3 =	sld [smem:$0x3FDB];
	s0 =	simm.s32 @p2 $0x1  }
0x17: {  	s4 =	simm.s32 $0x1BF5;
	[smem:$0x3FBB] =	sst s0  }
0x18: {  	s0 =	sld [smem:$0x3F9E];
	_ =	swait.ge [sflag:s4], $0x0  }
0x19: {  	s7 =	sld [smem:$0x3F9F]  }
0x1a: {  	s8 =	sadd.s32 $0xFFFFE003, lr  }
0x1b: {  	s9 =	sadd.s32 $0xFFFFFEF7, lr;
	s5 =	simm.s32 $0xFFFFFFFF;
	p2 =	slt.u32 s8, $0xFFFFF086  }
0x1c: {  	p1 =	slt.u32 s9, $0xF7A;
	s5 =	simm.s32 @!p2 $0x0  }
0x1d: {  	s5 =	simm.s32 @p1 $0x1;
	p0 =	seq.s32 s7, s2  }
0x1e: {  	s7 =	smul.u32 @!p0 $0xF7A, s2;
	p2 =	seq.s32 @!p0 s5, $0x0  }
0x1f: {  	s9 =	smul.u32 $0xF7A, s1;
	s8 =	simm.s32 @!p0 $0x1BF5;
	p2 =	por !p2, p0  }
0x20: {  	[sflag:s8] =	ssyncset.s32 @!p0 $0xFFFFF086;
	s6 =	sadd.s32 @!p0 s3, s7;
	s7 =	simm.s32 @!p0 $0x108  }
0x21: {  	s3 =	sadd.s32 s3, s9;
	s6 =	sadd.s32 @!p0 $0x88, s6;
	s7 =	simm.s32 @p2 $0x1082  }
0x22: {  	[simem:s7], [sflag:s8] =	dma.local @!p0 [hbm:s6], $0xF7A  }
0x23: {  	s9 =	sor.u32 $0xD0000000, s2;
	s6 =	simm.s32 $0x108;
	_ =	swait.ge @!p0 [sflag:s8], $0x0  }
0x24: {  	s3 =	sadd.s32 $0x88, s3;
	s6 =	simm.s32 @!p1 $0x1082;
	[sflag:s4] =	ssyncset.s32 $0xFFFFF086  }
0x25: {  	[simem:s6], [sflag:s4] =	dma.local [hbm:s3], $0xF7A  }
0x26: {  	[smem:$0x3F9F] =	sst s1;
	(tag) =	ssettag s2;
	_ =	strace s9  }
0x27: {  	s1 =	sld [smem:$0x3FAF]  }
0x28: {  	s2 =	sld [smem:$0x3FB0]  }
0x29: {  	s4 =	sld [smem:$0x3FB2]  }
0x2a: {  	p0 =	seq.s32 s5, $0x0;
	s5 =	sld [smem:$0x3FB3]  }
0x2b: {  	s6 =	sld [smem:$0x3FB4]  }
0x2c: {  	s7 =	sld [smem:$0x3FB5]  }
0x2d: {  	s3 =	simm.s32 $0x108;
	s8 =	sld [smem:$0x3FB6]  }
0x2e: {  	s3 =	simm.s32 @!p0 $0x1082;
	s9 =	sld [smem:$0x3FB7]  }
0x2f: {  	lr =	sadd.s32 s0, s3;
	s0 =	sld [smem:$0x3FAE]  }
0x30: {  	s3 =	sld [smem:$0x3FB1]  }
0x31: {  	[smem:$0x3FBA] =	sst s10  }
0x32: {  	s10 =	sld [smem:$0x3FB8];
	_ =	sdelay $0x3  }
0x33: {  	p0 =	seq.s32 s10, $0x1;
	s10 =	sld [smem:$0x3FBA];
	_ =	sdelay $0x3  }
0x34: {  	[smem:$0x3FBA] =	sst s10  }
0x35: {  	s10 =	sld [smem:$0x3FB9];
	_ =	sdelay $0x3  }
0x36: {  	p1 =	seq.s32 s10, $0x1;
	s10 =	sld [smem:$0x3FBA];
	_ =	sdelay $0x3  }
0x37: {  	[smem:$0x3FBA] =	sst s10  }
0x38: {  	s10 =	sld [smem:$0x3FBB]  }
0x39: {  	_ = 	snop;
	(pc) =	sbr.ind lr, $3  }
0x3a: {  	_ = 	snop  }
0x3b: {  	_ = 	snop  }
0x3c: {  	p2 =	seq.s32 s10, $0x1;
	s10 =	sld [smem:$0x3FBA]  }
0x3d: {  	_ =	shalt  }
0x3e: {  	_ =	shalt  }
0x3f: {  	_ =	shalt  }
0x40: {  	_ =	shalt  }
0x41: {  	_ =	shalt  }
0x42: {  	_ =	shalt  }
0x43: {  	_ =	shalt  }
0x44: {  	_ =	shalt  }
0x45: {  	_ =	shalt  }
0x46: {  	_ =	shalt  }
0x47: {  	_ =	shalt  }
0x48: {  	_ =	shalt  }
0x49: {  	_ =	shalt  }
0x4a: {  	_ =	shalt  }
0x4b: {  	_ =	shalt  }
0x4c: {  	_ =	shalt  }
0x4d: {  	_ =	shalt  }
0x4e: {  	_ =	shalt  }
0x4f: {  	_ =	shalt  }
0x50: {  	_ =	shalt  }
0x51: {  	_ =	shalt  }
0x52: {  	_ =	shalt  }
0x53: {  	_ =	shalt  }
0x54: {  	_ =	shalt  }
0x55: {  	_ =	shalt  }
0x56: {  	_ =	shalt  }
0x57: {  	_ =	shalt  }
0x58: {  	_ =	shalt  }
0x59: {  	_ =	shalt  }
0x5a: {  	_ =	shalt  }
0x5b: {  	_ =	shalt  }
0x5c: {  	_ =	shalt  }
0x5d: {  	_ =	shalt  }
0x5e: {  	_ =	shalt  }
0x5f: {  	_ =	shalt  }
0x60: {  	_ =	shalt  }
0x61: {  	_ =	shalt  }
0x62: {  	_ =	shalt  }
0x63: {  	_ =	shalt  }
0x64: {  	_ =	shalt  }
0x65: {  	_ =	shalt  }
0x66: {  	_ =	shalt  }
0x67: {  	_ =	shalt  }
0x68: {  	_ =	shalt  }
0x69: {  	_ =	shalt  }
0x6a: {  	_ =	shalt  }
0x6b: {  	_ =	shalt  }
0x6c: {  	_ =	shalt  }
0x6d: {  	_ =	shalt  }
0x6e: {  	_ =	shalt  }
0x6f: {  	_ =	shalt  }
0x70: {  	_ =	shalt  }
0x71: {  	_ =	shalt  }
0x72: {  	_ =	shalt  }
0x73: {  	_ =	shalt  }
0x74: {  	_ =	shalt  }
0x75: {  	_ =	shalt  }
0x76: {  	_ =	shalt  }
0x77: {  	_ =	shalt  }
0x78: {  	_ =	shalt  }
0x79: {  	_ =	shalt  }
0x7a: {  	_ =	shalt  }
0x7b: {  	_ =	shalt  }
0x7c: {  	_ =	shalt  }
0x7d: {  	_ =	shalt  }
0x7e: {  	_ =	shalt  }
0x7f: {  	_ =	shalt  }
0x80: {  	_ =	shalt  }
0x81: {  	_ =	shalt  }
0x82: {  	_ =	shalt  }
0x83: {  	_ =	shalt  }
0x84: {  	_ =	shalt  }
0x85: {  	_ =	shalt  }
0x86: {  	_ =	shalt  }
0x87: {  	_ =	shalt  }
.Lfunc_end0:
.L_simem_size_0:
called_computation.1_lowered:
.L_overlay_start_0:
0x88: {  	s2 =	sld [smem:$0x3FD9]  }
0x89: {  	s3 =	sld [smem:$0x3FFE];
	_ =	sdelay $0x1  }
0x8a: {  	s1 =	srdreg.scid  }
0x8b: {  	s0 =	sand.u32 $0x1, s1  }
0x8c: {  	s17 =	sshll.u32 s0, $0xA;
	s2 =	sadd.s32 s3, s2  }
0x8d: {  	s2 =	sadd.s32 s2, s17  }
0x8e: {  	[smem:$0x3FC6] =	sst s2  }
0x8f: {  	_ = 	snop  }
0x90: {  	s2 =	sld [smem:$0x3FC9]  }
0x91: {  	s18 =	sld [smem:$0x3FD0];
	(tm) =	ssettm $0x1  }
0x92: {  	s4 =	sld [smem:$0x3FFB];
	_ =	sdelay $0x3  }
0x93: {  	_ =	strace s4  }
0x94: {  	s4 =	sld [smem:$0x3FFC];
	_ =	sdelay $0x3  }
0x95: {  	_ =	strace s4  }
0x96: {  	s4 =	sld [smem:$0x3FFD];
	_ =	sdelay $0x3  }
0x97: {  	_ =	strace s4  }
0x98: {  	_ =	strace $0x8FFFFFFF  }
0x99: {  	s19 =	sld [smem:$0x3FDB];
	_ =	sdelay $0x1  }
0x9a: {  	s5 =	simm.s32 $_scs_section_size  }
0x9b: {  	s6 =	simm.s32 $_size__tile_overlayer_lowered;
	s7 =	simm.s32 $_tile_overlayer_lowered  }
0x9c: {  	s22 =	simm.s32 $0x1BFF;
	s21 =	sshll.u32 s7, $0x1;
	s4 =	sadd.s32 s5, s19  }
0x9d: {  	s8 =	simm.s32 $0x0;
	s20 =	sshll.u32 s6, $0x1;
	s6 =	sadd.s32 s21, s4  }
0x9e: {  	[timem:s8], [sflag:s22] =	dma.local [hbm:s6], s20  }
0x9f: {  	_ =	swait.ge [sflag:s22], s20  }
0xa0: {  	s5 =	ssub.s32 $0x0, s20;
	[sflag:s22] =	ssyncset.done $0x0  }
0xa1: {  	[sflag:s22] =	ssyncadd.s32 s5;
	_ =	sdelay $0x1  }
0xa2: {  	s23 =	simm.s32 $0x1B8B  }
0xa3: {  	_ =	swait.ge [sflag:s23], $0x1  }
0xa4: {  	[sflag:s23] =	ssyncset.done $0x0  }
0xa5: {  	s25 =	simm.s32 $0x1B8E;
	s24 =	sld [smem:$0x3FFE];
	[sflag:s23] =	ssyncadd.s32 $0xFFFFFFFF  }
0xa6: {  	s26 =	simm.s32 $execute0_lowered;
	[smem:$0x3FD2] =	sst s25  }
0xa7: {  	s6 =	sshll.u32 s26, $0x1;
	_ =	strace $0x80000046;
	[dreg:$0x1] =	wrdreg $0xFFFFFFFF  }
0xa8: {  	s28 =	simm.s32 $_size_execute0_lowered;
	s4 =	sadd.s32 s4, s6;
	[dreg:$0x0] =	wrdreg $0x0  }
0xa9: {  	s6 =	sshll.u32 s28, $0x1;
	[dreg:$0x2] =	wrdreg s4  }
0xaa: {  	[dreg:$0x3] =	wrdreg s6  }
0xab: {  	[dreg:$0x4] =	wrdreg $0xC0  }
0xac: {  	_ =	task [dreg:s8], $0x5FFFF  }
0xad: {  	[dreg:$0x1] =	wrdreg $0xFFFFFFFF  }
0xae: {  	[dreg:$0x0] =	wrdreg $0x60  }
0xaf: {  	[dreg:$0x2] =	wrdreg s2  }
0xb0: {  	[dreg:$0x3] =	wrdreg s24  }
0xb1: {  	[dreg:$0x4] =	wrdreg s18  }
0xb2: {  	[dreg:$0x5] =	wrdreg $0x0  }
0xb3: {  	[dreg:$0x6] =	wrdreg $0x9  }
0xb4: {  	_ =	task.clear_ibuf [dreg:s8], $0x7FFFF;
	_ =	strace $0x90000046  }
0xb5: {  	s29 =	simm.s32 $0x9;
	_ =	strace $0x80000048  }
0xb6: {  	_ =	swait.ge [sflag:s29], $0x1  }
0xb7: {  	[sflag:s29] =	ssyncadd.s32 $0xFFFFFFFF  }
0xb8: {  	_ =	strace $0x90000048  }
0xb9: {  	_ =	sfence  }
0xba: {  	s30 =	sld [smem:$0x0];
	_ =	sdelay $0x2  }
0xbb: {  	s31 =	sshll.u32 s1, $0xD;
	s1 =	sshrl.u32 s1, $0x2  }
0xbc: {  	s3 =	sand.u32 $0x4000, s31;
	s1 =	sadd.s32 s1, s30  }
0xbd: {  	s0 =	sor.u32 s3, s0;
	s1 =	sshll.u32 s1, $0x11  }
0xbe: {  	s0 =	sor.u32 s1, s0  }
0xbf: {  	s0 =	sadd.s32 $0x8F2B, s0  }
0xc0: {  	[sflag:s0] =	ssyncadd.remote.s32 $0x1  }
0xc1: {  	_ =	sfence.sel $0xFFFF  }
0xc2: {  	[dreg:$0x0] =	wrdreg $0xFFFFFFFF;
	(pc) =	sbr.abs _section_cstart, $3  }
0xc3: {  	[dreg:$0x1] =	wrdreg $0xFFFFFFFF  }
0xc4: {  	_ =	task.clear_ibuf [dreg:s8], $0x2FFFF;
	_ =	strace $0x9FFFFFFF  }
0xc5: {  	(tm) =	ssettm $0x7FFFFFFF  }
tec
execute0_lowered:
.L_overlay_start_1:
0x0: {  	(tag) =	ssettag $0x1  }
0x1: {  	s0 =	rddreg [dreg:$0x0]  }
0x2: {  	s3 =	rddreg [dreg:$0x1];
	s1 =	srdreg.scid  }
0x3: {  	s8 =	stileid.u32;
	s6 =	rddreg [dreg:$0x2];
	s13 =	simm.s32 $0x73A8  }
0x4: {  	s15 =	simm.s32 $0x93A8;
	s18 =	simm.s32 $0x1;
	s21 =	simm.s32 $0x2  }
0x5: {  	s22 =	simm.s32 $0x5;
	s23 =	simm.s32 $0x6;
	s24 =	simm.s32 $0x7  }
0x6: {  	s25 =	simm.s32 $0x8;
	s26 =	simm.s32 $0x0;
	s4 =	sand.u32 $0x1, s1  }
0x7: {  	s2 =	sshll.u32 s8, $0x1;
	s1 =	rddreg [dreg:$0x3];
	s10 =	smul.u32 $0x64000, s8  }
0x8: {  	s3 =	sadd.s32 $0x800, s3;
	s5 =	sor.u32 s4, s2;
	s12 =	smul.u32 $0x32000, s4  }
0x9: {  	p0 =	sne.s32 s8, $0x0;
	s2 =	simm.s32 $0x0;
	s7 =	smul.u32 $0xC80, s5  }
0xa: {  	s28 =	ssub.s32 $0x2, s4;
	[smem:$0x7FF] =	sst s2;
	s9 =	smul.u32 $0x32000, s5  }
0xb: {  	s11 =	sshrl.u32 s28, $0x1;
	s29 =	sadd.s32 s10, s6;
	s10 =	simm.s32 $0xFA8  }
0xc: {  	_ =	strace $0x80000047;
	[dreg:$0x5] =	wrdreg s3;
	s5 =	ssub.s32 s28, s11  }
0xd: {  	s11 =	simm.s32 $0x9;
	s0 =	sadd.s32 s0, s7;
	s30 =	smax.u32 s5, $0x1  }
0xe: {  	s6 =	sadd.s32 s6, s9;
	s9 =	sshrl.u32 @!p0 s1, $0x3;
	[dreg:$0x6] =	wrdreg s0  }
0xf: {  	[dreg:$0x7] =	wrdreg s30;
	s0 =	sadd.s32 s12, s29;
	s31 =	sadd.s32 $0x400, s6  }
0x10: {  	s12 =	simm.s32 $0x80;
	[dreg:$0x8] =	wrdreg s31;
	s17 =	sadd.s32 $0x800, s0  }
.LBB2_1:
0x11: {  	s0 =	simm.s32 @!p0 $0x1C09;
	s3 =	rddreg [dreg:$0x5]  }
0x12: {  	[spmem:s9], [sflag:s0] =	dma.local @!p0 [hbm:s3], $0x1F48  }
0x13: {  	s0 =	simm.s32 @!p0 $0x9  }
0x14: {  	_ =	swait.ge @!p0 [sflag:s0], $0x1F48  }
0x15: {  	[sflag:s0] =	ssyncset.done @!p0 $0x0  }
0x16: {  	s14 =	rddreg [dreg:$0x6];
	[sflag:s0] =	ssyncadd.s32 @!p0 $0xFFFFE0B8  }
0x17: {  	[tilespmem:s10], [sflag:$0x9] =	stream.linear.gather [hbm4b:s14+s2], $0x6400, $0x38;
	[tilespmem:$0xF3A8] =	vst v63  }
0x18: {  	_ =	swait.ge [sflag:s11], $0x6400  }
0x19: {  	[sflag:s11] =	ssyncset.done $0x0  }
0x1a: {  	[sflag:s11] =	ssyncadd.s32 $0xFFFF9C00  }
0x1b: {  	[bflag:$0x0] =	sbarrier.arrive $0xFFFF  }
0x1c: {  	[tilespmem:s13], [sflag:$0x1] =	stream.indirect.gather [spmem:s1], $0x40, s10, s12, $0xb8;
	[tilespmem:$0xF3A8] =	vst v63  }
0x1d: {  	s16 =	simm.s32 $0x1028  }
0x1e: {  	[tilespmem:s15], [sflag:$0x2] =	stream.indirect.gather [spmem:s1], $0x40, s16, s12, $0xb8;
	[tilespmem:$0xF3A8] =	vst v63  }
0x1f: {  	s19 =	simm.s32 $0x10A8;
	s20 =	simm.s32 $0xB3A8  }
0x20: {  	[tilespmem:s20], [sflag:$0x3] =	stream.indirect.gather [spmem:s1], $0x40, s19, s12, $0xb8;
	[tilespmem:$0xF3A8] =	vst v63  }
0x21: {  	s4 =	simm.s32 $0xD3A8;
	_ =	swait.ge [sflag:s18], $0x2000  }
0x22: {  	s8 =	simm.s32 $0x4;
	p1 =	por $0x0, $0x0;
	[sflag:s18] =	ssyncset.done $0x0  }
0x23: {  	s30 =	simm.s32 $0x3;
	s31 =	simm.s32 $0x1228;
	[sflag:s18] =	ssyncadd.s32 $0xFFFFE000  }
0x24: {  	[hbm4b:s6+s2] =	stream.linear.scatter [tilespmem:s13], [sflag:$0x5], $0x2000, $0x38;
	[tilespmem:$0xF3A8] =	vst v63  }
0x25: {  	s3 =	simm.s32 $0x1128;
	s8 =	sand.u32 @!p1 $0x3, s8;
	s28 =	sand.u32 $0x3, s30  }
0x26: {  	[tilespmem:s4], [sflag:$0x4] =	stream.indirect.gather [spmem:s1], $0x40, s3, s12, $0xb8;
	[tilespmem:$0xF3A8] =	vst v63  }
0x27: {  	s29 =	sshll.u32 @!p1 s8, $0xD;
	s16 =	simm.s32 $0x2;
	_ =	swait.ge [sflag:s21], $0x2000  }
0x28: {  	s29 =	sadd.s32 @!p1 $0x73A8, s29;
	s19 =	sand.u32 $0x3, s16;
	[sflag:s21] =	ssyncset.done $0x0  }
0x29: {  	s16 =	sadd.s32 @!p1 $0x5, s8;
	s5 =	rddreg [dreg:$0x8];
	[sflag:s21] =	ssyncadd.s32 $0xFFFFE000  }
0x2a: {  	[hbm4b:s5+s2] =	stream.linear.scatter [tilespmem:s15], [sflag:$0x6], $0x2000, $0x38;
	[tilespmem:$0xF3A8] =	vst v63  }
0x2b: {  	s0 =	simm.s32 $0x5;
	s14 =	simm.s32 $0x11A8;
	_ =	swait.ge @!p1 [sflag:s16], $0x2000  }
0x2c: {  	s8 =	sadd.s32 @!p1 $0x1, s8;
	s20 =	sshll.u32 s19, $0xD;
	[sflag:s16] =	ssyncset.done @!p1 $0x0  }
0x2d: {  	s7 =	sadd.s32 $0x1, s19;
	[sflag:s16] =	ssyncadd.s32 @!p1 $0xFFFFE000;
	s16 =	simm.s32 @!p1 $0x80  }
0x2e: {  	[tilespmem:s29], [sflag:s8] =	stream.indirect.gather @!p1 [spmem:s1], $0x40, s14, s16, $0xb8;
	[tilespmem:$0xF3A8] =	vst v63  }
0x2f: {  	s19 =	sadd.s32 $0x5, s19;
	s20 =	sadd.s32 $0x73A8, s20;
	_ =	swait.ge [sflag:s7], $0x2000  }
0x30: {  	s16 =	simm.s32 $0x6;
	s14 =	sshll.u32 s28, $0xD;
	[sflag:s7] =	ssyncset.done $0x0  }
0x31: {  	s29 =	sadd.s32 $0x400, s17;
	s8 =	smov.u32 s17;
	[sflag:s7] =	ssyncadd.s32 $0xFFFFE000  }
.LBB2_2:
0x32: {  	[hbm4b:s8+s2] =	stream.linear.scatter [tilespmem:s20], [sflag:s19], $0x2000, $0x38;
	[tilespmem:$0xF3A8] =	vst v63  }
0x33: {  	s3 =	smov.u32 s16;
	s19 =	smov.u32 s28;
	s20 =	smov.u32 s14  }
0x34: {  	s16 =	sadd.s32 $0x1, s16;
	p2 =	sgt.u32 s30, $0xC5;
	s30 =	sadd.s32 $0xFFFFFFFE, s3  }
0x35: {  	p1 =	sne.s32 s16, $0xCA;
	s0 =	sand.u32 @!p2 $0x3, s0;
	s28 =	sand.u32 $0x3, s30  }
0x36: {  	s8 =	sadd.s32 @!p2 $0x5, s0;
	s4 =	sshll.u32 @!p2 s0, $0xD;
	s5 =	sadd.s32 @!p2 $0x1, s0  }
0x37: {  	s14 =	sshll.u32 s28, $0xD;
	s4 =	sadd.s32 @!p2 $0x73A8, s4;
	_ =	swait.ge @!p2 [sflag:s8], $0x2000  }
0x38: {  	s7 =	sadd.s32 $0x1, s19;
	s0 =	smov.u32 s3;
	[sflag:s8] =	ssyncset.done @!p2 $0x0  }
.Ltmp0:
0x39: {  	s3 =	simm.s32 @!p2 $0x80;
	[sflag:s8] =	ssyncadd.s32 @!p2 $0xFFFFE000;
	(pc) =	sbr.rel @p1 .LBB2_2-.Ltmp0, $4  }
0x3a: {  	[tilespmem:s4], [sflag:s5] =	stream.indirect.gather @!p2 [spmem:s1], $0x40, s31, s3, $0xb8;
	[tilespmem:$0xF3A8] =	vst v63  }
0x3b: {  	s8 =	smov.u32 s29;
	_ =	swait.ge [sflag:s7], $0x2000  }
0x3c: {  	s29 =	sadd.s32 $0x400, s29;
	s31 =	sadd.s32 $0x80, s31;
	[sflag:s7] =	ssyncset.done $0x0  }
0x3d: {  	s19 =	sadd.s32 $0x5, s19;
	s20 =	sadd.s32 $0x73A8, s20;
	[sflag:s7] =	ssyncadd.s32 $0xFFFFE000  }
0x3e: {  	[hbm4b:s8+s2] =	stream.linear.scatter [tilespmem:s20], [sflag:s19], $0x2000, $0x38;
	[tilespmem:$0xF3A8] =	vst v63  }
0x3f: {  	p1 =	sgt.u32 s30, $0xC5  }
0x40: {  	s0 =	sand.u32 @!p1 $0x3, s0  }
0x41: {  	s3 =	sadd.s32 @!p1 $0x5, s0  }
0x42: {  	s5 =	sadd.s32 $0x1, s28;
	_ =	swait.ge @!p1 [sflag:s3], $0x2000  }
0x43: {  	s4 =	sshll.u32 @!p1 s0, $0xD;
	s0 =	sadd.s32 @!p1 $0x1, s0;
	[sflag:s3] =	ssyncset.done @!p1 $0x0  }
0x44: {  	s4 =	sadd.s32 @!p1 $0x73A8, s4;
	[sflag:s3] =	ssyncadd.s32 @!p1 $0xFFFFE000;
	s3 =	simm.s32 @!p1 $0x80  }
0x45: {  	[tilespmem:s4], [sflag:s0] =	stream.indirect.gather @!p1 [spmem:s1], $0x40, s31, s3, $0xb8;
	[tilespmem:$0xF3A8] =	vst v63  }
0x46: {  	_ =	swait.ge [sflag:s5], $0x2000  }
0x47: {  	[sflag:s5] =	ssyncset.done $0x0  }
0x48: {  	s28 =	sadd.s32 $0x5, s28;
	s30 =	sadd.s32 $0x73A8, s14;
	[sflag:s5] =	ssyncadd.s32 $0xFFFFE000  }
0x49: {  	[hbm4b:s29+s2] =	stream.linear.scatter [tilespmem:s30], [sflag:s28], $0x2000, $0x38;
	[tilespmem:$0xF3A8] =	vst v63  }
0x4a: {  	_ =	swait.ge [sflag:s22], $0x2000  }
0x4b: {  	[sflag:s22] =	ssyncset.done $0x0  }
0x4c: {  	[sflag:s22] =	ssyncadd.s32 $0xFFFFE000  }
0x4d: {  	_ =	swait.ge [sflag:s23], $0x2000  }
0x4e: {  	[sflag:s23] =	ssyncset.done $0x0  }
0x4f: {  	[sflag:s23] =	ssyncadd.s32 $0xFFFFE000  }
0x50: {  	_ =	swait.ge [sflag:s24], $0x2000  }
0x51: {  	[sflag:s24] =	ssyncset.done $0x0  }
0x52: {  	[sflag:s24] =	ssyncadd.s32 $0xFFFFE000  }
0x53: {  	_ =	swait.ge [sflag:s25], $0x2000  }
0x54: {  	s26 =	sadd.s32 $0x1, s26;
	s31 =	rddreg [dreg:$0x7]  }
0x55: {  	p1 =	sne.s32 s26, s31  }
.Ltmp1:
0x56: {  	_ = 	snop;
	(pc) =	sbr.rel @p1 .LBB2_1-.Ltmp1, $3  }
0x57: {  	_ =	sdelay $0x1  }
0x58: {  	[sflag:s25] =	ssyncset.done $0x0  }
0x59: {  	[sflag:s25] =	ssyncadd.s32 $0xFFFFE000  }
0x5a: {  	_ =	sfence.sel $0x180000  }
0x5b: {  	[bflag:$0x0] =	sbarrier.arrive $0xFFFF  }
0x5c: {  	_ =	strace $0x90000047  }
0x5d: {  	[bflag:$0x2] =	sbarrier.arrive $0xFFFF  }
0x5e: {  	s0 =	rddreg [dreg:$0x4]  }
0x5f: {  	s0 =	sadd.s32 @!p0 $0x100000, s0  }
0x60: {  	[sflag:s0] =	ssyncadd.tile.s32 @!p0 $0x1;
	_ =	shalt  }
.Lfunc_end2:
_tile_overlayer_lowered:
.L_overlay_start_2:
0x61: {  	(tag) =	ssettag $0x2  }
0x62: {  	s0 =	rddreg [dreg:$0x0];
	s2 =	stileid.u32  }
0x63: {  	s1 =	rddreg [dreg:$0x1];
	p0 =	sne.s32 s2, $0x0  }
0x64: {  	s3 =	rddreg [dreg:$0x2];
	[bflag:$0x3] =	sbarrier.arrive $0xFFFF;
	s2 =	simm.s32 @!p0 $0x1C09  }
0x65: {  	[timem:s3], [sflag:s2] =	dma.local @!p0 [hbm:s0], s1  }
0x66: {  	s0 =	simm.s32 @!p0 $0x9  }
0x67: {  	_ =	swait.ge @!p0 [sflag:s0], s1  }
0x68: {  	s1 =	ssub.s32 @!p0 $0x0, s1;
	[sflag:s0] =	ssyncset.done @!p0 $0x0  }
0x69: {  	[sflag:s0] =	ssyncadd.s32 @!p0 s1  }
0x6a: {  	[bflag:$0x3] =	sbarrier.arrive $0xFFFF  }
0x6b: {  	_ =	shalt  }

// kernel: sparse-core-data-format-call.cloned.1.call-start
scs
called_computation_lowered:
.L_overlay_start_0:
0x0: {  	s2 =	sld [smem:$0x3FD9]  }
0x1: {  	s3 =	sld [smem:$0x3FFE];
	_ =	sdelay $0x1  }
0x2: {  	s1 =	srdreg.scid  }
0x3: {  	s0 =	sand.u32 $0x1, s1  }
0x4: {  	s18 =	sshll.u32 s0, $0xA;
	s2 =	sadd.s32 s3, s2  }
0x5: {  	s2 =	sadd.s32 s2, s18  }
0x6: {  	[smem:$0x3FC6] =	sst s2  }
0x7: {  	_ = 	snop  }
0x8: {  	s2 =	sld [smem:$0x3FD0];
	(tm) =	ssettm $0x1  }
0x9: {  	s19 =	sld [smem:$0x3FFB];
	_ =	sdelay $0x3  }
0xa: {  	_ =	strace s19  }
0xb: {  	s3 =	sld [smem:$0x3FFC];
	_ =	sdelay $0x3  }
0xc: {  	_ =	strace s3  }
0xd: {  	s3 =	sld [smem:$0x3FFD];
	_ =	sdelay $0x3  }
0xe: {  	_ =	strace s3  }
0xf: {  	_ =	strace $0x8FFFFFFF  }
0x10: {  	s20 =	sld [smem:$0x3FDB];
	_ =	sdelay $0x1  }
0x11: {  	s4 =	simm.s32 $_scs_section_size  }
0x12: {  	s5 =	simm.s32 $_size__tile_overlayer_lowered;
	s6 =	simm.s32 $_tile_overlayer_lowered  }
0x13: {  	s23 =	simm.s32 $0x1BFF;
	s22 =	sshll.u32 s6, $0x1;
	s3 =	sadd.s32 s4, s20  }
0x14: {  	s7 =	simm.s32 $0x0;
	s21 =	sshll.u32 s5, $0x1;
	s5 =	sadd.s32 s22, s3  }
0x15: {  	[timem:s7], [sflag:s23] =	dma.local [hbm:s5], s21  }
0x16: {  	_ =	swait.ge [sflag:s23], s21  }
0x17: {  	s4 =	ssub.s32 $0x0, s21;
	[sflag:s23] =	ssyncset.done $0x0  }
0x18: {  	[sflag:s23] =	ssyncadd.s32 s4;
	_ =	sdelay $0x1  }
0x19: {  	s24 =	simm.s32 $0x1B8B  }
0x1a: {  	_ =	swait.ge [sflag:s24], $0x1  }
0x1b: {  	[sflag:s24] =	ssyncset.done $0x0  }
0x1c: {  	s26 =	simm.s32 $0x1B8E;
	s25 =	sld [smem:$0x3FFE];
	[sflag:s24] =	ssyncadd.s32 $0xFFFFFFFF  }
0x1d: {  	s27 =	simm.s32 $execute0_lowered;
	[smem:$0x3FD2] =	sst s26  }
0x1e: {  	s5 =	sshll.u32 s27, $0x1;
	_ =	strace $0x80000049;
	[dreg:$0x1] =	wrdreg $0xFFFFFFFF  }
0x1f: {  	s28 =	simm.s32 $_size_execute0_lowered;
	s3 =	sadd.s32 s3, s5;
	[dreg:$0x0] =	wrdreg $0x0  }
0x20: {  	s5 =	sshll.u32 s28, $0x1;
	[dreg:$0x2] =	wrdreg s3  }
0x21: {  	[dreg:$0x3] =	wrdreg s5  }
0x22: {  	[dreg:$0x4] =	wrdreg $0xC0  }
0x23: {  	_ =	task [dreg:s7], $0x5FFFF  }
0x24: {  	[dreg:$0x1] =	wrdreg $0xFFFFFFFF  }
0x25: {  	[dreg:$0x0] =	wrdreg $0x60  }
0x26: {  	[dreg:$0x2] =	wrdreg s25  }
0x27: {  	[dreg:$0x3] =	wrdreg s2  }
0x28: {  	[dreg:$0x4] =	wrdreg $0x9  }
0x29: {  	_ =	task.clear_ibuf [dreg:s7], $0x5FFFF;
	_ =	strace $0x90000049  }
0x2a: {  	s29 =	simm.s32 $0x9;
	_ =	strace $0x8000004B  }
0x2b: {  	_ =	swait.ge [sflag:s29], $0x1  }
0x2c: {  	[sflag:s29] =	ssyncadd.s32 $0xFFFFFFFF  }
0x2d: {  	_ =	strace $0x9000004B  }
0x2e: {  	_ =	sfence  }
0x2f: {  	s30 =	sld [smem:$0x0];
	_ =	sdelay $0x2  }
0x30: {  	s31 =	sshll.u32 s1, $0xD;
	s1 =	sshrl.u32 s1, $0x2  }
0x31: {  	s3 =	sand.u32 $0x4000, s31;
	s1 =	sadd.s32 s1, s30  }
0x32: {  	s0 =	sor.u32 s3, s0;
	s1 =	sshll.u32 s1, $0x11  }
0x33: {  	s0 =	sor.u32 s1, s0  }
0x34: {  	s0 =	sadd.s32 $0x8F2B, s0  }
0x35: {  	[sflag:s0] =	ssyncadd.remote.s32 $0x1  }
0x36: {  	_ =	sfence.sel $0xFFFF  }
0x37: {  	[dreg:$0x0] =	wrdreg $0xFFFFFFFF;
	(pc) =	sbr.abs _section_cstart, $3  }
0x38: {  	[dreg:$0x1] =	wrdreg $0xFFFFFFFF  }
0x39: {  	_ =	task.clear_ibuf [dreg:s7], $0x2FFFF;
	_ =	strace $0x9FFFFFFF  }
0x3a: {  	(tm) =	ssettm $0x7FFFFFFF  }
0x3b: {  	_ =	shalt  }
tec
execute0_lowered:
.L_overlay_start_1:
0x0: {  	(tag) =	ssettag $0x1  }
0x1: {  	s0 =	srdreg.scid  }
0x2: {  	s1 =	sshll.u32 s0, $0x4  }
0x3: {  	s4 =	rddreg [dreg:$0x0];
	s0 =	stileid.u32;
	s1 =	sand.u32 $0x10, s1  }
0x4: {  	s2 =	rddreg [dreg:$0x1];
	s7 =	simm.s32 $0x1;
	s1 =	sor.u32 s0, s1  }
0x5: {  	s8 =	simm.s32 $0x2;
	s11 =	simm.s32 $0x0;
	s3 =	sshll.u32 s1, $0x7  }
0x6: {  	s10 =	simm.s32 $0x0;
	s4 =	sadd.s32 $0x800, s4;
	s6 =	ssub.s32 $0xC8000, s3  }
.Ltmp0:
0x7: {  	s1 =	rddreg [dreg:$0x2];
	s5 =	sand.u32 $0xF80, s6;
	(pc) =	sbr.rel .LBB1_1-.Ltmp0, $4  }
0x8: {  	_ =	strace $0x8000004A;
	s9 =	smov.u32 s3;
	p0 =	sne.s32 s5, $0x0  }
0x9: {  	s6 =	sshrl.u32 s6, $0xC;
	s5 =	simm.s32 $0x1;
	s7 =	simm.s32 @!p0 $0x0  }
0xa: {  	[sflag:s5] =	ssyncpa.u1 $0x0;
	p0 =	por $0x0, $0x0;
	s6 =	sadd.s32 s7, s6  }
0xb: {  	[sflag:s8] =	ssyncpa.u1 $0x0;
	s8 =	simm.s32 $0x640000;
	s7 =	sadd.s32 $0x1, s6  }
.LBB1_4:
0xc: {  	s14 =	sshll.u32 s11, $0x3  }
0xd: {  	s30 =	sand.u32 $0x7F, s11;
	s15 =	sand.u32 $0xFFFFFC00, s14  }
0xe: {  	s11 =	sor.u32 s30, s15  }
0xf: {  	s15 =	smulhi.u32 $0x51EB851F, s11  }
0x10: {  	s14 =	smulhi.u32 $0x51EB851F, s14  }
0x11: {  	s15 =	sshrl.u32 s15, $0x12  }
0x12: {  	s14 =	sshrl.u32 s14, $0x12;
	s15 =	smul.u32 $0xC8000, s15  }
0x13: {  	s14 =	sand.u32 $0x3F, s14  }
0x14: {  	s14 =	smul.u32 $0x19000, s14;
	s11 =	ssub.s32 s11, s15  }
0x15: {  	[tilespmem:s13+$0x810 ss:$0x81] =	vst.msk $0xffff, v2;
	s15 =	sand.u32 $0x7, s11  }
0x16: {  	[tilespmem:s13+$0x1020 ss:$0x81] =	vst.msk $0xffff, v0;
	s14 =	sadd.s32 s2, s14;
	s11 =	sshrl.u32 s11, $0x3;
	s15 =	sshll.u32 s15, $0x12  }
0x17: {  	[tilespmem:s13+$0x0 ss:$0x81] =	vst.msk $0xffff, v1;
	s11 =	sadd.s32 s11, s14;
	s31 =	sor.u32 $0x400, s15  }
0x18: {  	[hbm4b:s11+s31] =	stream.strided.scatter [tilespmem:s12], [sflag:$0x2], $0x2000, s8, s31, $0x20;
	[tilespmem:$0x8080] =	vst v63  }
.LBB1_5:
0x19: {  	s13 =	sadd.s32 $0x1000, s9  }
0x1a: {  	p2 =	sgt.s32 s13, $0xC7FFF  }
0x1b: {  	s13 =	smov.u32 @p2 s3;
	p2 =	sne.s32 s10, s7  }
.Ltmp1:
0x1c: {  	p1 =	slt.u32 s10, $0x2;
	(pc) =	sbr.rel @!p2 .LBB1_6-.Ltmp1, $4  }
0x1d: {  	s12 =	simm.s32 @!p1 $0x2  }
0x1e: {  	s14 =	sadd.s32 $0x1, s10;
	_ =	swait.ge @!p1 [sflag:s12], $0x2000  }
0x1f: {  	s11 =	smov.u32 s9;
	p0 =	por !p0, !p0;
	[sflag:s12] =	ssyncset.done @!p1 $0x0  }
0x20: {  	s10 =	smov.u32 s14;
	s9 =	smov.u32 s13;
	[sflag:s12] =	ssyncadd.s32 @!p1 $0xFFFFE000  }
.LBB1_1:
0x21: {  	p1 =	sge.u32 s10, s6  }
0x22: {  	s12 =	sand.u32 @!p1 $0x1FFFFFF, s9  }
0x23: {  	s13 =	smulhi.u32 @!p1 $0x147AE15, s12;
	_ =	sdelay $0x1  }
0x24: {  	s13 =	sshrl.u32 @!p1 s13, $0xC  }
0x25: {  	s13 =	smul.u32 @!p1 $0xC8000, s13;
	_ =	sdelay $0x1  }
0x26: {  	s31 =	sadd.s32 $0xFFFFFFFF, s10;
	s14 =	sxor.u32 @!p1 $0xFFFFFFFF, s10;
	s12 =	ssub.s32 @!p1 s12, s13  }
0x27: {  	s15 =	simm.s32 @!p1 $0x80;
	s14 =	sshll.u32 @!p1 s14, $0xD;
	s12 =	sshll.u32 @!p1 s12, $0x4  }
0x28: {  	s13 =	sand.u32 @!p1 $0x2000, s14;
	s14 =	simm.s32 @!p1 $0x40;
	s12 =	sadd.s32 @!p1 s4, s12  }
0x29: {  	[tilespmem:s13], [sflag:$0x1] =	stream.strided.gather @!p1 [hbm4b:s12+s14], $0x2000, s15, s14, $0x38;
	[tilespmem:$0x8080] =	vst v63  }
0x2a: {  	p1 =	sge.u32 s31, s6  }
.Ltmp2:
0x2b: {  	_ = 	snop;
	(pc) =	sbr.rel @p1 .LBB1_5-.Ltmp2, $1  }
0x2c: {  	_ =	sdelay $0x3  }
0x2d: {  	s12 =	simm.s32 $0x1  }
0x2e: {  	_ =	swait.ge [sflag:s5], $0x2000;
	s12 =	simm.s32 @!p0 $0x0  }
0x2f: {  	[sflag:s5] =	ssyncset.done $0x0;
	s13 =	sshll.u32 s12, $0xD  }
0x30: {  	[sflag:s5] =	ssyncadd.s32 $0xFFFFE000;
	s16 =	sor.u32 $0x20, s13  }
0x31: {  	s12 =	smul.u32 $0x8100, s12;
	v3 =	vld [tilespmem:s16+$0x10]  }
0x32: {  	s30 =	sand.u32 $0x1, s10;
	v2 =	vld [tilespmem:s16+$0xFFFFFFF0]  }
0x33: {  	s13 =	smul.u32 $0x8100, s30;
	s12 =	sshrl.u32 s12, $0x2;
	v0 =	vld [tilespmem:s16+$0x0]  }
0x34: {  	v1 =	vld [tilespmem:s16+$0xFFFFFFE0];
	s14 =	sor.u32 $0x4000, s12  }
0x35: {  	s31 =	sshrl.u32 s13, $0x2;
	s13 =	sadd.s32 $0x0, s14  }
0x36: {  	s15 =	simm.s32 $0x4;
	s16 =	sadd.s32 $0x40, s16;
	s12 =	sor.u32 $0x4000, s31;
	[tilespmem:s13+$0x1830 ss:$0x81] =	vst.msk $0xffff, v3  }
.LBB1_3:
0x37: {  	v3 =	vld [tilespmem:s16+$0x10];
	p1 =	sne.s32 s15, $0x1FC;
	[tilespmem:s13+$0x810 ss:$0x81] =	vst.msk $0xffff, v2;
	s17 =	smov.u32 s15;
	s15 =	sadd.s32 $0x4, s15  }
.Ltmp3:
0x38: {  	v2 =	vld [tilespmem:s16+$0xFFFFFFF0];
	[tilespmem:s13+$0x1020 ss:$0x81] =	vst.msk $0xffff, v0;
	(pc) =	sbr.rel @p1 .LBB1_3-.Ltmp3, $4  }
0x39: {  	v0 =	vld [tilespmem:s16+$0x0];
	[tilespmem:s13+$0x0 ss:$0x81] =	vst.msk $0xffff, v1  }
0x3a: {  	s13 =	sshra.s32 s17, $0x2;
	v1 =	vld [tilespmem:s16+$0xFFFFFFE0]  }
0x3b: {  	s13 =	sadd.s32 s13, s14  }
0x3c: {  	s16 =	sadd.s32 $0x40, s16;
	[tilespmem:s13+$0x1830 ss:$0x81] =	vst.msk $0xffff, v3  }
.Ltmp4:
0x3d: {  	_ = 	snop;
	(pc) =	sbr.rel .LBB1_4-.Ltmp4, $1  }
0x3e: {  	_ =	sdelay $0x3  }
.LBB1_6:
0x3f: {  	_ =	sfence.sel $0x180000  }
0x40: {  	s2 =	simm.s32 $0x1;
	[bflag:$0x0] =	sbarrier.arrive $0xFFFF  }
0x41: {  	s31 =	simm.s32 $0x2;
	[sflag:s2] =	ssyncpa.u1 $0x1  }
0x42: {  	[sflag:s31] =	ssyncpa.u1 $0x1  }
0x43: {  	p0 =	sne.s32 s0, $0x0;
	_ =	strace $0x9000004A  }
0x44: {  	s0 =	sadd.s32 @!p0 $0x100000, s1;
	[bflag:$0x2] =	sbarrier.arrive $0xFFFF  }
0x45: {  	[sflag:s0] =	ssyncadd.tile.s32 @!p0 $0x1;
	_ =	shalt  }
.Lfunc_end1:
_tile_overlayer_lowered:
.L_overlay_start_2:
0x46: {  	(tag) =	ssettag $0x2  }
0x47: {  	s0 =	rddreg [dreg:$0x0];
	s2 =	stileid.u32  }
0x48: {  	s1 =	rddreg [dreg:$0x1];
	p0 =	sne.s32 s2, $0x0  }
0x49: {  	s3 =	rddreg [dreg:$0x2];
	[bflag:$0x3] =	sbarrier.arrive $0xFFFF;
	s2 =	simm.s32 @!p0 $0x1C01  }
0x4a: {  	[timem:s3], [sflag:s2] =	dma.local @!p0 [hbm:s0], s1  }
0x4b: {  	s0 =	simm.s32 @!p0 $0x1  }
0x4c: {  	_ =	swait.ge @!p0 [sflag:s0], s1  }
0x4d: {  	s1 =	ssub.s32 @!p0 $0x0, s1;
	[sflag:s0] =	ssyncset.done @!p0 $0x0  }
0x4e: {  	[sflag:s0] =	ssyncadd.s32 @!p0 s1  }
0x4f: {  	[bflag:$0x3] =	sbarrier.arrive $0xFFFF  }
0x50: {  	_ =	shalt  }

</sc_bundles>
